<compile_context>
chip_gen: v7x
topology: tpu7x:2x2x1
jax: 0.10.2.dev20260603
libtpu: 0.0.44.dev20260713+nightly
codegen_flags: <defaults>
</compile_context>

<pallas_src>
import functools

import jax
import jax.numpy as jnp
from jax import lax
from jax.experimental import pallas as pl
from jax.experimental.pallas import tpu as pltpu
from jax.experimental.pallas import tpu_sc as plsc

B = 128
L = 50
EDIM = 128
KNUM = 100
KPAD = 128
MEM_SIZE = 262144
KEY_SIZE = 128
TOPK = 256
MARGIN = 0.1
CHUNK = 8192
NEG_INF = -1e30


def _sc_gather(table, idx):
    v, d = table.shape
    n = idx.shape[0]
    info = plsc.get_sparse_core_info()
    nc, ns = info.num_cores, info.num_subcores
    nw = nc * ns
    b_per_w = n // nw
    mesh = plsc.VectorSubcoreMesh(core_axis_name="c", subcore_axis_name="s")

    @functools.partial(
        pl.kernel,
        mesh=mesh,
        out_type=jax.ShapeDtypeStruct((n, d), jnp.float32),
        scratch_types=[
            pltpu.VMEM((b_per_w,), jnp.int32),
            pltpu.VMEM((b_per_w, d), jnp.float32),
            pltpu.SemaphoreType.DMA,
        ],
    )
    def k(table_hbm, idx_hbm, out_hbm, idx_v, rows_v, sem):
        wid = lax.axis_index("s") * nc + lax.axis_index("c")
        base = wid * b_per_w
        pltpu.sync_copy(idx_hbm.at[pl.ds(base, b_per_w)], idx_v)
        pltpu.async_copy(table_hbm.at[idx_v], rows_v, sem).wait()
        pltpu.sync_copy(rows_v, out_hbm.at[pl.ds(base, b_per_w)])

    return k(table, idx)


def _scan_body(emb_ref, wcat_ref, bias_ref, pw_ref, pb_ref, y_ref,
               keys_ref, vals_ref, sims_out, gpos_ref, gneg_ref, q_ref):
    i = pl.program_id(0)

    @pl.when(i == 0)
    def _cnn():
        m = emb_ref[...]
        feats = []
        j = 0
        for w, t in ((3, L - 2), (4, L - 3), (5, L - 4)):
            c = None
            for dt in range(w):
                p = jnp.dot(m[dt * B:(dt + t) * B, :], wcat_ref[j],
                            preferred_element_type=jnp.float32)
                c = p if c is None else c + p
                j += 1
            cmax = jnp.max(c.reshape(t, B, KPAD), axis=0)
            widx = (3, 4, 5).index(w)
            feats.append(jnp.maximum(cmax + bias_ref[widx:widx + 1, :], 0.0))
        h = jnp.concatenate(feats, axis=1)
        q = jnp.dot(h, pw_ref[...], preferred_element_type=jnp.float32)
        q = q + pb_ref[...]
        nrm = jnp.sqrt(jnp.sum(q * q, axis=1, keepdims=True))
        q_ref[...] = q / (nrm + 1e-8)

    keys = keys_ref[...]
    sims = lax.dot_general(keys, q_ref[...],
                           dimension_numbers=(((1,), (1,)), ((), ())),
                           preferred_element_type=jnp.float32)
    vals = jnp.transpose(vals_ref[0])
    pos = vals == y_ref[...]
    pmax = jnp.max(jnp.where(pos, sims, NEG_INF), axis=0, keepdims=True)
    nmax = jnp.max(jnp.where(pos, NEG_INF, sims), axis=0, keepdims=True)

    @pl.when(i == 0)
    def _init():
        gpos_ref[...] = pmax
        gneg_ref[...] = nmax

    @pl.when(i > 0)
    def _acc():
        gpos_ref[...] = jnp.maximum(gpos_ref[...], pmax)
        gneg_ref[...] = jnp.maximum(gneg_ref[...], nmax)

    sims_out[...] = sims.astype(jnp.bfloat16).reshape(1, CHUNK, B)


def _count_body(sims_ref, gpos_ref, gneg_ref, cnt_ref):
    i = pl.program_id(0)

    lo = jnp.minimum(gpos_ref[...], gneg_ref[...])
    s = sims_ref[0].astype(jnp.float32)
    inc = jnp.sum((s > lo).astype(jnp.int32), axis=0, keepdims=True)

    @pl.when(i == 0)
    def _init():
        cnt_ref[...] = inc

    @pl.when(i > 0)
    def _acc():
        cnt_ref[...] += inc


def kernel(x, y, embed_table, conv_w3, conv_b3, conv_w4, conv_b4,
           conv_w5, conv_b5, proj_W, proj_b, mem_keys, mem_values):
    idx = jnp.transpose(x).reshape(-1).astype(jnp.int32)
    emb = _sc_gather(embed_table, idx)

    taps = []
    for cw in (conv_w3, conv_w4, conv_w5):
        w = cw.shape[2]
        for dt in range(w):
            taps.append(jnp.pad(cw[:, :, dt].T, ((0, 0), (0, KPAD - KNUM))))
    wcat = jnp.stack(taps, axis=0)
    bias = jnp.stack([jnp.pad(b, (0, KPAD - KNUM))
                      for b in (conv_b3, conv_b4, conv_b5)], axis=0)
    pw = jnp.concatenate([
        jnp.pad(proj_W[i * KNUM:(i + 1) * KNUM, :], ((0, KPAD - KNUM), (0, 0)))
        for i in range(3)], axis=0)
    pb = proj_b.reshape(1, KEY_SIZE)
    y2 = y.reshape(1, B).astype(jnp.int32)

    mem_local = mem_keys.shape[0]
    nch = mem_local // CHUNK
    vals3 = mem_values.astype(jnp.int32).reshape(nch, 1, CHUNK)

    sims_bf, gpos, gneg = pl.pallas_call(
        _scan_body,
        grid=(nch,),
        in_specs=[
            pl.BlockSpec((L * B, EDIM), lambda i: (0, 0)),
            pl.BlockSpec((12, EDIM, KPAD), lambda i: (0, 0, 0)),
            pl.BlockSpec((3, KPAD), lambda i: (0, 0)),
            pl.BlockSpec((3 * KPAD, KEY_SIZE), lambda i: (0, 0)),
            pl.BlockSpec((1, KEY_SIZE), lambda i: (0, 0)),
            pl.BlockSpec((1, B), lambda i: (0, 0)),
            pl.BlockSpec((CHUNK, KEY_SIZE), lambda i: (i, 0)),
            pl.BlockSpec((1, 1, CHUNK), lambda i: (i, 0, 0)),
        ],
        out_specs=[
            pl.BlockSpec((1, CHUNK, B), lambda i: (i, 0, 0)),
            pl.BlockSpec((1, B), lambda i: (0, 0)),
            pl.BlockSpec((1, B), lambda i: (0, 0)),
        ],
        out_shape=[
            jax.ShapeDtypeStruct((nch, CHUNK, B), jnp.bfloat16),
            jax.ShapeDtypeStruct((1, B), jnp.float32),
            jax.ShapeDtypeStruct((1, B), jnp.float32),
        ],
        scratch_shapes=[pltpu.VMEM((B, KEY_SIZE), jnp.float32)],
    )(emb, wcat, bias, pw, pb, y2, mem_keys, vals3)

    cnt = pl.pallas_call(
        _count_body,
        grid=(nch,),
        in_specs=[
            pl.BlockSpec((1, CHUNK, B), lambda i: (i, 0, 0)),
            pl.BlockSpec((1, B), lambda i: (0, 0)),
            pl.BlockSpec((1, B), lambda i: (0, 0)),
        ],
        out_specs=pl.BlockSpec((1, B), lambda i: (0, 0)),
        out_shape=jax.ShapeDtypeStruct((1, B), jnp.int32),
    )(sims_bf, gpos, gneg)

    has_both = cnt < TOPK
    lossv = jnp.where(has_both, jnp.maximum(gneg - gpos + MARGIN, 0.0), 0.0)
    loss = jnp.sum(lossv) / B
    acc = jnp.sum((gpos > gneg).astype(jnp.float32)) / B
    return acc, loss

# --- scband reference (transcript-rebuilt; emitter-appended) ---
"""Pipeline reference for scband-cnn-mem-22617297780766 (READ-ONLY COPY).

The authoritative reference and input builder live on the scoring server;
editing this copy changes nothing except your own understanding.
"""

import jax, jax.numpy as jnp
import numpy as np

B = 128
L = 50
VOCAB = 100000
EDIM = 128
KNUM = 100
KSIZES = (3, 4, 5)
NCLS = 20
MEM_SIZE = 262144
KEY_SIZE = 128
TOPK = 256
MARGIN = 0.1


def _l2norm(v, axis=-1):
    return v / (jnp.linalg.norm(v, axis=axis, keepdims=True) + 1e-8)


def _confidence(x, embed_table, conv_w3, conv_b3, conv_w4, conv_b4, conv_w5, conv_b5, proj_W, proj_b):
    # CNN_Text.confidence: embed -> multi-width 1D convs -> relu -> max-over-time -> concat -> project to key_size -> l2 normalize
    emb = jnp.take(embed_table, x, axis=0)              # [B, L, EDIM] gather
    t = jnp.transpose(emb, (0, 2, 1))                   # [B, EDIM, L]
    feats = []
    for w, b in ((conv_w3, conv_b3), (conv_w4, conv_b4), (conv_w5, conv_b5)):
        c = jax.lax.conv_general_dilated(t, w, (1,), 'VALID', dimension_numbers=('NCH', 'OIH', 'NCH'))
        c = jax.nn.relu(c + b[None, :, None])
        feats.append(jnp.max(c, axis=2))
    h = jnp.concatenate(feats, axis=1)                  # [B, 3*KNUM]
    q = h @ proj_W + proj_b                             # [B, KEY_SIZE]
    return _l2norm(q)


def setup_inputs(seed: int = 0):
    key = jax.random.key(seed)
    ks = jax.random.split(key, 12)
    x = jax.random.randint(ks[0], (B, L), 0, VOCAB)
    y = jax.random.randint(ks[1], (B,), 0, NCLS)
    embed_table = jax.random.normal(ks[2], (VOCAB, EDIM), jnp.float32) * 0.02
    conv_w3 = jax.random.normal(ks[3], (KNUM, EDIM, 3), jnp.float32) * 0.05
    conv_b3 = jnp.zeros((KNUM,), jnp.float32)
    conv_w4 = jax.random.normal(ks[4], (KNUM, EDIM, 4), jnp.float32) * 0.05
    conv_b4 = jnp.zeros((KNUM,), jnp.float32)
    conv_w5 = jax.random.normal(ks[5], (KNUM, EDIM, 5), jnp.float32) * 0.05
    conv_b5 = jnp.zeros((KNUM,), jnp.float32)
    proj_W = jax.random.normal(ks[6], (len(KSIZES) * KNUM, KEY_SIZE), jnp.float32) * 0.05
    proj_b = jnp.zeros((KEY_SIZE,), jnp.float32)
    mem_keys = _l2norm(jax.random.normal(ks[7], (MEM_SIZE, KEY_SIZE), jnp.float32))
    mem_values = jax.random.randint(ks[8], (MEM_SIZE,), 0, NCLS)
    return {"x": x, "y": y, "embed_table": embed_table,
            "conv_w3": conv_w3, "conv_b3": conv_b3,
            "conv_w4": conv_w4, "conv_b4": conv_b4,
            "conv_w5": conv_w5, "conv_b5": conv_b5,
            "proj_W": proj_W, "proj_b": proj_b,
            "mem_keys": mem_keys, "mem_values": mem_values}


def reference(x, y, embed_table, conv_w3, conv_b3, conv_w4, conv_b4, conv_w5, conv_b5, proj_W, proj_b, mem_keys, mem_values):
    q = _confidence(x, embed_table, conv_w3, conv_b3, conv_w4, conv_b4, conv_w5, conv_b5, proj_W, proj_b)
    # Memory.compute_loss: k-NN lookup into the external memory
    sims = q @ mem_keys.T                               # [B, MEM_SIZE]
    topv, topi = jax.lax.top_k(sims, TOPK)              # [B, TOPK]
    vals = jnp.take(mem_values, topi, axis=0)           # gather memory values
    pos = vals == y[:, None]
    neg = jnp.logical_not(pos)
    pos_sim = jnp.max(jnp.where(pos, topv, -1e9), axis=1)
    neg_sim = jnp.max(jnp.where(neg, topv, -1e9), axis=1)
    has_both = jnp.logical_and(jnp.any(pos, axis=1), jnp.any(neg, axis=1))
    loss = jnp.mean(jnp.where(has_both, jax.nn.relu(neg_sim - pos_sim + MARGIN), 0.0))
    accuracy = jnp.mean((vals[:, 0] == y).astype(jnp.float32))
    return (accuracy, loss)

if __name__ == "__main__":
    import jax
    _d = setup_inputs()
    print(jax.jit(kernel)(*tuple(_d.values())))

</pallas_src>

<mosaic_0001>
#map = affine_map<(d0, d1) -> (0, 0)>
#map1 = affine_map<(d0, d1) -> (0)>
module attributes {stable_mosaic.version = 14 : i64} {
  func.func @k(%arg0: i32, %arg1: i32, %arg2: memref<100000x128xf32, #tpu.memory_space<hbm>>, %arg3: memref<6400xi32, #tpu.memory_space<hbm>>, %arg4: memref<6400x128xf32, #tpu.memory_space<hbm>>, %arg5: memref<200xi32, #tpu.memory_space<vmem>>, %arg6: memref<200x128xf32, #tpu.memory_space<vmem>>, %arg7: memref<!tpu.dma_semaphore, #tpu.memory_space<semaphore_mem>>) attributes {dimension_semantics = [#tpu.dimension_semantics<core_parallel>, #tpu.dimension_semantics<subcore_parallel>], iteration_bounds = array<i64: 2, 16>, scalar_prefetch = 0 : i64, scratch_operands = 3 : i64, tpu.core_type = #tpu.core_type<sc_vector_subcore>, window_params = [{transform_indices = #map}, {transform_indices = #map1}, {transform_indices = #map}]} {
    %mul3A = arith.constant 2 : i32
    %mul3A_0 = arith.muli %arg1, %mul3A : i32
    %add3A = arith.addi %mul3A_0, %arg0 : i32
    %mul3A_1 = arith.constant 200 : i32
    %mul3A_2 = arith.muli %add3A, %mul3A_1 : i32
    "tpu.region"() ({
      %run_scoped3A = tpu.sem_alloc : memref<!tpu.dma_semaphore, #tpu.memory_space<semaphore_mem>>
      %dma_start3A_7 = tpu.memref_slice %arg3[%mul3A_2] : memref<6400xi32, #tpu.memory_space<hbm>> -> memref<200xi32, #tpu.memory_space<hbm>>
      %dma_start3A_8 = tpu.memref_slice %arg3[%mul3A_2] : memref<6400xi32, #tpu.memory_space<hbm>> -> memref<200xi32, #tpu.memory_space<hbm>>
      tpu.enqueue_dma source(%dma_start3A_8 : memref<200xi32, #tpu.memory_space<hbm>>) target(%arg5 : memref<200xi32, #tpu.memory_space<vmem>>) target_semaphore(%run_scoped3A : memref<!tpu.dma_semaphore, #tpu.memory_space<semaphore_mem>>)
      %dma_wait3A_9 = tpu.memref_slice %arg3[%mul3A_2] : memref<6400xi32, #tpu.memory_space<hbm>> -> memref<200xi32, #tpu.memory_space<hbm>>
      %dma_wait3A_10 = tpu.memref_slice %arg3[%mul3A_2] : memref<6400xi32, #tpu.memory_space<hbm>> -> memref<200xi32, #tpu.memory_space<hbm>>
      tpu.wait_dma2 semaphore(%run_scoped3A : memref<!tpu.dma_semaphore, #tpu.memory_space<semaphore_mem>>) src(%dma_wait3A_10 : memref<200xi32, #tpu.memory_space<hbm>>) dst(%arg5 : memref<200xi32, #tpu.memory_space<vmem>>)
      tpu.yield
    }) : () -> ()
    %dma_start3A = arith.constant 0 : i32
    %dma_start3A_3 = arith.constant 0 : i32
    %dma_start3A_4 = tpu.memref_slice %arg2[%dma_start3A, %dma_start3A_3] : memref<100000x128xf32, #tpu.memory_space<hbm>> -> memref<100000x128xf32, #tpu.memory_space<hbm>>
    tpu.enqueue_indirect_dma source(%dma_start3A_4 : memref<100000x128xf32, #tpu.memory_space<hbm>>) target(%arg6 : memref<200x128xf32, #tpu.memory_space<vmem>>) offsets(%arg5 : memref<200xi32, #tpu.memory_space<vmem>>) semaphore(%arg7 : memref<!tpu.dma_semaphore, #tpu.memory_space<semaphore_mem>>)
    %dma_wait3A = arith.constant 0 : i32
    %dma_wait3A_5 = arith.constant 0 : i32
    %dma_wait3A_6 = tpu.memref_slice %arg2[%dma_wait3A, %dma_wait3A_5] : memref<100000x128xf32, #tpu.memory_space<hbm>> -> memref<100000x128xf32, #tpu.memory_space<hbm>>
    tpu.wait_indirect_dma semaphore(%arg7 : memref<!tpu.dma_semaphore, #tpu.memory_space<semaphore_mem>>) src(%dma_wait3A_6 : memref<100000x128xf32, #tpu.memory_space<hbm>>) dst(%arg6 : memref<200x128xf32, #tpu.memory_space<vmem>>)
    "tpu.region"() ({
      %run_scoped3A = tpu.sem_alloc : memref<!tpu.dma_semaphore, #tpu.memory_space<semaphore_mem>>
      %dma_start3A_7 = arith.constant 0 : i32
      %dma_start3A_8 = tpu.memref_slice %arg4[%mul3A_2, %dma_start3A_7] : memref<6400x128xf32, #tpu.memory_space<hbm>> -> memref<200x128xf32, #tpu.memory_space<hbm>>
      %dma_start3A_9 = arith.constant 0 : i32
      %dma_start3A_10 = tpu.memref_slice %arg4[%mul3A_2, %dma_start3A_9] : memref<6400x128xf32, #tpu.memory_space<hbm>> -> memref<200x128xf32, #tpu.memory_space<hbm>>
      tpu.enqueue_dma source(%arg6 : memref<200x128xf32, #tpu.memory_space<vmem>>) target(%dma_start3A_10 : memref<200x128xf32, #tpu.memory_space<hbm>>) target_semaphore(%run_scoped3A : memref<!tpu.dma_semaphore, #tpu.memory_space<semaphore_mem>>)
      %dma_wait3A_11 = arith.constant 0 : i32
      %dma_wait3A_12 = tpu.memref_slice %arg4[%mul3A_2, %dma_wait3A_11] : memref<6400x128xf32, #tpu.memory_space<hbm>> -> memref<200x128xf32, #tpu.memory_space<hbm>>
      %dma_wait3A_13 = arith.constant 0 : i32
      %dma_wait3A_14 = tpu.memref_slice %arg4[%mul3A_2, %dma_wait3A_13] : memref<6400x128xf32, #tpu.memory_space<hbm>> -> memref<200x128xf32, #tpu.memory_space<hbm>>
      tpu.wait_dma2 semaphore(%run_scoped3A : memref<!tpu.dma_semaphore, #tpu.memory_space<semaphore_mem>>) src(%arg6 : memref<200x128xf32, #tpu.memory_space<vmem>>) dst(%dma_wait3A_14 : memref<200x128xf32, #tpu.memory_space<hbm>>)
      tpu.yield
    }) : () -> ()
    return
  }
}

module attributes {stable_mosaic.version = 14 : i64} {
  func.func @_count_body(%arg0: i32, %arg1: memref<1x8192x128xbf16, #tpu.memory_space<vmem>>, %arg2: memref<1x128xf32, #tpu.memory_space<vmem>>, %arg3: memref<1x128xf32, #tpu.memory_space<vmem>>, %arg4: memref<1x128xi32, #tpu.memory_space<vmem>>) attributes {dimension_semantics = [#tpu.dimension_semantics<arbitrary>], iteration_bounds = array<i64: 32>, scalar_prefetch = 0 : i64, scratch_operands = 0 : i64, tpu.core_type = #tpu.core_type<tc>, window_params = [{transform_indices = @transform_0, window_bounds = array<i64: 1, 8192, 128>}, {pipeline_mode = #tpu.pipeline_mode<synchronous>, transform_indices = @transform_1, window_bounds = array<i64: 1, 128>}, {pipeline_mode = #tpu.pipeline_mode<synchronous>, transform_indices = @transform_2, window_bounds = array<i64: 1, 128>}, {pipeline_mode = #tpu.pipeline_mode<synchronous>, transform_indices = @transform_3, window_bounds = array<i64: 1, 128>}]} {
    %get3A = arith.constant 0 : index
    %get3A_0 = arith.constant 0 : index
    %get3A_1 = vector.load %arg2[%get3A, %get3A_0] : memref<1x128xf32, #tpu.memory_space<vmem>>, vector<1x128xf32>
    %get3A_2 = arith.constant 0 : index
    %get3A_3 = arith.constant 0 : index
    %get3A_4 = vector.load %arg3[%get3A_2, %get3A_3] : memref<1x128xf32, #tpu.memory_space<vmem>>, vector<1x128xf32>
    %min3A = arith.minimumf %get3A_1, %get3A_4 : vector<1x128xf32>
    %get3A_5 = arith.constant 0 : index
    %get3A_6 = arith.constant 0 : index
    %get3A_7 = arith.constant 0 : index
    %get3A_8 = vector.load %arg1[%get3A_5, %get3A_6, %get3A_7] : memref<1x8192x128xbf16, #tpu.memory_space<vmem>>, vector<1x8192x128xbf16>
    %get3A_9 = vector.shape_cast %get3A_8 : vector<1x8192x128xbf16> to vector<8192x128xbf16>
    %convert_element_type3A = arith.extf %get3A_9 : vector<8192x128xbf16> to vector<8192x128xf32>
    %gt3A = vector.broadcast %min3A : vector<1x128xf32> to vector<8192x128xf32>
    %gt3A_10 = arith.cmpf ogt, %convert_element_type3A, %gt3A : vector<8192x128xf32>
    %convert_element_type3A_11 = arith.extui %gt3A_10 : vector<8192x128xi1> to vector<8192x128xi32>
    %reduce_sum3A = arith.constant dense<0> : vector<128xi32>
    %reduce_sum3A_12 = vector.multi_reduction <add>, %convert_element_type3A_11, %reduce_sum3A [0] : vector<8192x128xi32> to vector<128xi32>
    %broadcast_in_dim3A = vector.shape_cast %reduce_sum3A_12 : vector<128xi32> to vector<1x128xi32>
    %eq3A = arith.constant 0 : i32
    %eq3A_13 = arith.cmpi eq, %arg0, %eq3A : i32
    %convert_element_type3A_14 = arith.extui %eq3A_13 : i1 to i32
    %cond3A = arith.constant 0 : i32
    %cond3A_15 = arith.cmpi ne, %convert_element_type3A_14, %cond3A : i32
    scf.if %cond3A_15 {
      %swap3A = arith.constant 0 : index
      %swap3A_21 = arith.constant 0 : index
      %swap3A_22 = vector.load %arg4[%swap3A, %swap3A_21] : memref<1x128xi32, #tpu.memory_space<vmem>>, vector<1x128xi32>
      tpu.vector_store %arg4[%swap3A, %swap3A_21], %broadcast_in_dim3A {strides = array<i32>} : memref<1x128xi32, #tpu.memory_space<vmem>>, vector<1x128xi32>,
    } else {
    }
    %gt3A_16 = arith.constant 0 : i32
    %gt3A_17 = arith.cmpi sgt, %arg0, %gt3A_16 : i32
    %convert_element_type3A_18 = arith.extui %gt3A_17 : i1 to i32
    %cond3A_19 = arith.constant 0 : i32
    %cond3A_20 = arith.cmpi ne, %convert_element_type3A_18, %cond3A_19 : i32
    scf.if %cond3A_20 {
      %get3A_21 = arith.constant 0 : index
      %get3A_22 = arith.constant 0 : index
      %get3A_23 = vector.load %arg4[%get3A_21, %get3A_22] : memref<1x128xi32, #tpu.memory_space<vmem>>, vector<1x128xi32>
      %add3A = arith.addi %get3A_23, %broadcast_in_dim3A : vector<1x128xi32>
      %swap3A = arith.constant 0 : index
      %swap3A_24 = arith.constant 0 : index
      %swap3A_25 = vector.load %arg4[%swap3A, %swap3A_24] : memref<1x128xi32, #tpu.memory_space<vmem>>, vector<1x128xi32>
      tpu.vector_store %arg4[%swap3A, %swap3A_24], %add3A {strides = array<i32>} : memref<1x128xi32, #tpu.memory_space<vmem>>, vector<1x128xi32>,
    } else {
    }
    return
  }
  func.func @transform_0(%arg0: i32) -> (i32, i32, i32) {
    %c0_i32 = arith.constant 0 : i32
    %c0_i32_0 = arith.constant 0 : i32
    %c0_i32_1 = arith.constant 0 : i32
    return %arg0, %c0_i32, %c0_i32_0 : i32, i32, i32
  }
  func.func @transform_1(%arg0: i32) -> (i32, i32) {
    %c0_i32 = arith.constant 0 : i32
    %c0_i32_0 = arith.constant 0 : i32
    %c0_i32_1 = arith.constant 0 : i32
    return %c0_i32, %c0_i32_0 : i32, i32
  }
  func.func @transform_2(%arg0: i32) -> (i32, i32) {
    %c0_i32 = arith.constant 0 : i32
    %c0_i32_0 = arith.constant 0 : i32
    %c0_i32_1 = arith.constant 0 : i32
    return %c0_i32, %c0_i32_0 : i32, i32
  }
  func.func @transform_3(%arg0: i32) -> (i32, i32) {
    %c0_i32 = arith.constant 0 : i32
    %c0_i32_0 = arith.constant 0 : i32
    %c0_i32_1 = arith.constant 0 : i32
    return %c0_i32, %c0_i32_0 : i32, i32
  }
}

module attributes {stable_mosaic.version = 14 : i64} {
  func.func @_scan_body(%arg0: i32, %arg1: memref<6400x128xf32, #tpu.memory_space<vmem>>, %arg2: memref<12x128x128xf32, #tpu.memory_space<vmem>>, %arg3: memref<3x128xf32, #tpu.memory_space<vmem>>, %arg4: memref<384x128xf32, #tpu.memory_space<vmem>>, %arg5: memref<1x128xf32, #tpu.memory_space<vmem>>, %arg6: memref<1x128xi32, #tpu.memory_space<vmem>>, %arg7: memref<8192x128xf32, #tpu.memory_space<vmem>>, %arg8: memref<1x1x8192xi32, #tpu.memory_space<vmem>>, %arg9: memref<1x8192x128xbf16, #tpu.memory_space<vmem>>, %arg10: memref<1x128xf32, #tpu.memory_space<vmem>>, %arg11: memref<1x128xf32, #tpu.memory_space<vmem>>, %arg12: memref<128x128xf32, #tpu.memory_space<vmem>>) attributes {dimension_semantics = [#tpu.dimension_semantics<arbitrary>], iteration_bounds = array<i64: 32>, scalar_prefetch = 0 : i64, scratch_operands = 1 : i64, tpu.core_type = #tpu.core_type<tc>, window_params = [{pipeline_mode = #tpu.pipeline_mode<synchronous>, transform_indices = @transform_0, window_bounds = array<i64: 6400, 128>}, {pipeline_mode = #tpu.pipeline_mode<synchronous>, transform_indices = @transform_1, window_bounds = array<i64: 12, 128, 128>}, {pipeline_mode = #tpu.pipeline_mode<synchronous>, transform_indices = @transform_2, window_bounds = array<i64: 3, 128>}, {pipeline_mode = #tpu.pipeline_mode<synchronous>, transform_indices = @transform_3, window_bounds = array<i64: 384, 128>}, {pipeline_mode = #tpu.pipeline_mode<synchronous>, transform_indices = @transform_4, window_bounds = array<i64: 1, 128>}, {pipeline_mode = #tpu.pipeline_mode<synchronous>, transform_indices = @transform_5, window_bounds = array<i64: 1, 128>}, {transform_indices = @transform_6, window_bounds = array<i64: 8192, 128>}, {transform_indices = @transform_7, window_bounds = array<i64: 1, 1, 8192>}, {transform_indices = @transform_8, window_bounds = array<i64: 1, 8192, 128>}, {pipeline_mode = #tpu.pipeline_mode<synchronous>, transform_indices = @transform_9, window_bounds = array<i64: 1, 128>}, {pipeline_mode = #tpu.pipeline_mode<synchronous>, transform_indices = @transform_10, window_bounds = array<i64: 1, 128>}]} {
    %eq3A = arith.constant 0 : i32
    %eq3A_0 = arith.cmpi eq, %arg0, %eq3A : i32
    %convert_element_type3A = arith.extui %eq3A_0 : i1 to i32
    %cond3A = arith.constant 0 : i32
    %cond3A_1 = arith.cmpi ne, %convert_element_type3A, %cond3A : i32
    scf.if %cond3A_1 {
      %get3A_40 = arith.constant 0 : index
      %get3A_41 = arith.constant 0 : index
      %get3A_42 = vector.load %arg1[%get3A_40, %get3A_41] : memref<6400x128xf32, #tpu.memory_space<vmem>>, vector<6400x128xf32>
      %slice3A = vector.extract_strided_slice %get3A_42 {offsets = [0, 0], sizes = [6144, 128], strides = [1, 1]} : vector<6400x128xf32> to vector<6144x128xf32>
      %get3A_43 = arith.constant 0 : index
      %get3A_44 = arith.constant 0 : index
      %get3A_45 = arith.constant 0 : index
      %get3A_46 = vector.load %arg2[%get3A_43, %get3A_44, %get3A_45] : memref<12x128x128xf32, #tpu.memory_space<vmem>>, vector<1x128x128xf32>
      %get3A_47 = vector.shape_cast %get3A_46 : vector<1x128x128xf32> to vector<128x128xf32>
      %dot_general3A_48 = arith.constant dense<0.000000e+00> : vector<6144x128xf32>
      %dot_general3A_49 = tpu.matmul %slice3A, %get3A_47, %dot_general3A_48 {dimension_numbers = #tpu.dot_dimension_numbers<[1], [0], [0], [1], [0, 0, 1, 1], [], []>, transpose_lhs_hint = false} : vector<6144x128xf32>, vector<128x128xf32>, vector<6144x128xf32> -> vector<6144x128xf32>
      %slice3A_50 = vector.extract_strided_slice %get3A_42 {offsets = [128, 0], sizes = [6144, 128], strides = [1, 1]} : vector<6400x128xf32> to vector<6144x128xf32>
      %get3A_51 = arith.constant 1 : index
      %get3A_52 = arith.constant 0 : index
      %get3A_53 = arith.constant 0 : index
      %get3A_54 = vector.load %arg2[%get3A_51, %get3A_52, %get3A_53] : memref<12x128x128xf32, #tpu.memory_space<vmem>>, vector<1x128x128xf32>
      %get3A_55 = vector.shape_cast %get3A_54 : vector<1x128x128xf32> to vector<128x128xf32>
      %dot_general3A_56 = arith.constant dense<0.000000e+00> : vector<6144x128xf32>
      %dot_general3A_57 = tpu.matmul %slice3A_50, %get3A_55, %dot_general3A_56 {dimension_numbers = #tpu.dot_dimension_numbers<[1], [0], [0], [1], [0, 0, 1, 1], [], []>, transpose_lhs_hint = false} : vector<6144x128xf32>, vector<128x128xf32>, vector<6144x128xf32> -> vector<6144x128xf32>
      %add3A = arith.addf %dot_general3A_49, %dot_general3A_57 : vector<6144x128xf32>
      %slice3A_58 = vector.extract_strided_slice %get3A_42 {offsets = [256, 0], sizes = [6144, 128], strides = [1, 1]} : vector<6400x128xf32> to vector<6144x128xf32>
      %get3A_59 = arith.constant 2 : index
      %get3A_60 = arith.constant 0 : index
      %get3A_61 = arith.constant 0 : index
      %get3A_62 = vector.load %arg2[%get3A_59, %get3A_60, %get3A_61] : memref<12x128x128xf32, #tpu.memory_space<vmem>>, vector<1x128x128xf32>
      %get3A_63 = vector.shape_cast %get3A_62 : vector<1x128x128xf32> to vector<128x128xf32>
      %dot_general3A_64 = arith.constant dense<0.000000e+00> : vector<6144x128xf32>
      %dot_general3A_65 = tpu.matmul %slice3A_58, %get3A_63, %dot_general3A_64 {dimension_numbers = #tpu.dot_dimension_numbers<[1], [0], [0], [1], [0, 0, 1, 1], [], []>, transpose_lhs_hint = false} : vector<6144x128xf32>, vector<128x128xf32>, vector<6144x128xf32> -> vector<6144x128xf32>
      %add3A_66 = arith.addf %add3A, %dot_general3A_65 : vector<6144x128xf32>
      %reshape3A_67 = vector.shape_cast %add3A_66 : vector<6144x128xf32> to vector<48x128x128xf32>
      %reduce_max3A_68 = arith.constant dense<0xFF800000> : vector<128x128xf32>
      %reduce_max3A_69 = vector.multi_reduction <maximumf>, %reshape3A_67, %reduce_max3A_68 [0] : vector<48x128x128xf32> to vector<128x128xf32>
      %get3A_70 = arith.constant 0 : index
      %get3A_71 = arith.constant 0 : index
      %get3A_72 = vector.load %arg3[%get3A_70, %get3A_71] : memref<3x128xf32, #tpu.memory_space<vmem>>, vector<1x128xf32>
      %add3A_73 = vector.broadcast %get3A_72 : vector<1x128xf32> to vector<128x128xf32>
      %add3A_74 = arith.addf %reduce_max3A_69, %add3A_73 : vector<128x128xf32>
      %max3A = arith.constant 0.000000e+00 : f32
      %max3A_75 = vector.broadcast %max3A : f32 to vector<128x128xf32>
      %max3A_76 = arith.maximumf %add3A_74, %max3A_75 : vector<128x128xf32>
      %slice3A_77 = vector.extract_strided_slice %get3A_42 {offsets = [0, 0], sizes = [6016, 128], strides = [1, 1]} : vector<6400x128xf32> to vector<6016x128xf32>
      %get3A_78 = arith.constant 3 : index
      %get3A_79 = arith.constant 0 : index
      %get3A_80 = arith.constant 0 : index
      %get3A_81 = vector.load %arg2[%get3A_78, %get3A_79, %get3A_80] : memref<12x128x128xf32, #tpu.memory_space<vmem>>, vector<1x128x128xf32>
      %get3A_82 = vector.shape_cast %get3A_81 : vector<1x128x128xf32> to vector<128x128xf32>
      %dot_general3A_83 = arith.constant dense<0.000000e+00> : vector<6016x128xf32>
      %dot_general3A_84 = tpu.matmul %slice3A_77, %get3A_82, %dot_general3A_83 {dimension_numbers = #tpu.dot_dimension_numbers<[1], [0], [0], [1], [0, 0, 1, 1], [], []>, transpose_lhs_hint = false} : vector<6016x128xf32>, vector<128x128xf32>, vector<6016x128xf32> -> vector<6016x128xf32>
      %slice3A_85 = vector.extract_strided_slice %get3A_42 {offsets = [128, 0], sizes = [6016, 128], strides = [1, 1]} : vector<6400x128xf32> to vector<6016x128xf32>
      %get3A_86 = arith.constant 4 : index
      %get3A_87 = arith.constant 0 : index
      %get3A_88 = arith.constant 0 : index
      %get3A_89 = vector.load %arg2[%get3A_86, %get3A_87, %get3A_88] : memref<12x128x128xf32, #tpu.memory_space<vmem>>, vector<1x128x128xf32>
      %get3A_90 = vector.shape_cast %get3A_89 : vector<1x128x128xf32> to vector<128x128xf32>
      %dot_general3A_91 = arith.constant dense<0.000000e+00> : vector<6016x128xf32>
      %dot_general3A_92 = tpu.matmul %slice3A_85, %get3A_90, %dot_general3A_91 {dimension_numbers = #tpu.dot_dimension_numbers<[1], [0], [0], [1], [0, 0, 1, 1], [], []>, transpose_lhs_hint = false} : vector<6016x128xf32>, vector<128x128xf32>, vector<6016x128xf32> -> vector<6016x128xf32>
      %add3A_93 = arith.addf %dot_general3A_84, %dot_general3A_92 : vector<6016x128xf32>
      %slice3A_94 = vector.extract_strided_slice %get3A_42 {offsets = [256, 0], sizes = [6016, 128], strides = [1, 1]} : vector<6400x128xf32> to vector<6016x128xf32>
      %get3A_95 = arith.constant 5 : index
      %get3A_96 = arith.constant 0 : index
      %get3A_97 = arith.constant 0 : index
      %get3A_98 = vector.load %arg2[%get3A_95, %get3A_96, %get3A_97] : memref<12x128x128xf32, #tpu.memory_space<vmem>>, vector<1x128x128xf32>
      %get3A_99 = vector.shape_cast %get3A_98 : vector<1x128x128xf32> to vector<128x128xf32>
      %dot_general3A_100 = arith.constant dense<0.000000e+00> : vector<6016x128xf32>
      %dot_general3A_101 = tpu.matmul %slice3A_94, %get3A_99, %dot_general3A_100 {dimension_numbers = #tpu.dot_dimension_numbers<[1], [0], [0], [1], [0, 0, 1, 1], [], []>, transpose_lhs_hint = false} : vector<6016x128xf32>, vector<128x128xf32>, vector<6016x128xf32> -> vector<6016x128xf32>
      %add3A_102 = arith.addf %add3A_93, %dot_general3A_101 : vector<6016x128xf32>
      %slice3A_103 = vector.extract_strided_slice %get3A_42 {offsets = [384, 0], sizes = [6016, 128], strides = [1, 1]} : vector<6400x128xf32> to vector<6016x128xf32>
      %get3A_104 = arith.constant 6 : index
      %get3A_105 = arith.constant 0 : index
      %get3A_106 = arith.constant 0 : index
      %get3A_107 = vector.load %arg2[%get3A_104, %get3A_105, %get3A_106] : memref<12x128x128xf32, #tpu.memory_space<vmem>>, vector<1x128x128xf32>
      %get3A_108 = vector.shape_cast %get3A_107 : vector<1x128x128xf32> to vector<128x128xf32>
      %dot_general3A_109 = arith.constant dense<0.000000e+00> : vector<6016x128xf32>
      %dot_general3A_110 = tpu.matmul %slice3A_103, %get3A_108, %dot_general3A_109 {dimension_numbers = #tpu.dot_dimension_numbers<[1], [0], [0], [1], [0, 0, 1, 1], [], []>, transpose_lhs_hint = false} : vector<6016x128xf32>, vector<128x128xf32>, vector<6016x128xf32> -> vector<6016x128xf32>
      %add3A_111 = arith.addf %add3A_102, %dot_general3A_110 : vector<6016x128xf32>
      %reshape3A_112 = vector.shape_cast %add3A_111 : vector<6016x128xf32> to vector<47x128x128xf32>
      %reduce_max3A_113 = arith.constant dense<0xFF800000> : vector<128x128xf32>
      %reduce_max3A_114 = vector.multi_reduction <maximumf>, %reshape3A_112, %reduce_max3A_113 [0] : vector<47x128x128xf32> to vector<128x128xf32>
      %get3A_115 = arith.constant 1 : index
      %get3A_116 = arith.constant 0 : index
      %get3A_117 = vector.load %arg3[%get3A_115, %get3A_116] : memref<3x128xf32, #tpu.memory_space<vmem>>, vector<1x128xf32>
      %add3A_118 = vector.broadcast %get3A_117 : vector<1x128xf32> to vector<128x128xf32>
      %add3A_119 = arith.addf %reduce_max3A_114, %add3A_118 : vector<128x128xf32>
      %max3A_120 = arith.constant 0.000000e+00 : f32
      %max3A_121 = vector.broadcast %max3A_120 : f32 to vector<128x128xf32>
      %max3A_122 = arith.maximumf %add3A_119, %max3A_121 : vector<128x128xf32>
      %slice3A_123 = vector.extract_strided_slice %get3A_42 {offsets = [0, 0], sizes = [5888, 128], strides = [1, 1]} : vector<6400x128xf32> to vector<5888x128xf32>
      %get3A_124 = arith.constant 7 : index
      %get3A_125 = arith.constant 0 : index
      %get3A_126 = arith.constant 0 : index
      %get3A_127 = vector.load %arg2[%get3A_124, %get3A_125, %get3A_126] : memref<12x128x128xf32, #tpu.memory_space<vmem>>, vector<1x128x128xf32>
      %get3A_128 = vector.shape_cast %get3A_127 : vector<1x128x128xf32> to vector<128x128xf32>
      %dot_general3A_129 = arith.constant dense<0.000000e+00> : vector<5888x128xf32>
      %dot_general3A_130 = tpu.matmul %slice3A_123, %get3A_128, %dot_general3A_129 {dimension_numbers = #tpu.dot_dimension_numbers<[1], [0], [0], [1], [0, 0, 1, 1], [], []>, transpose_lhs_hint = false} : vector<5888x128xf32>, vector<128x128xf32>, vector<5888x128xf32> -> vector<5888x128xf32>
      %slice3A_131 = vector.extract_strided_slice %get3A_42 {offsets = [128, 0], sizes = [5888, 128], strides = [1, 1]} : vector<6400x128xf32> to vector<5888x128xf32>
      %get3A_132 = arith.constant 8 : index
      %get3A_133 = arith.constant 0 : index
      %get3A_134 = arith.constant 0 : index
      %get3A_135 = vector.load %arg2[%get3A_132, %get3A_133, %get3A_134] : memref<12x128x128xf32, #tpu.memory_space<vmem>>, vector<1x128x128xf32>
      %get3A_136 = vector.shape_cast %get3A_135 : vector<1x128x128xf32> to vector<128x128xf32>
      %dot_general3A_137 = arith.constant dense<0.000000e+00> : vector<5888x128xf32>
      %dot_general3A_138 = tpu.matmul %slice3A_131, %get3A_136, %dot_general3A_137 {dimension_numbers = #tpu.dot_dimension_numbers<[1], [0], [0], [1], [0, 0, 1, 1], [], []>, transpose_lhs_hint = false} : vector<5888x128xf32>, vector<128x128xf32>, vector<5888x128xf32> -> vector<5888x128xf32>
      %add3A_139 = arith.addf %dot_general3A_130, %dot_general3A_138 : vector<5888x128xf32>
      %slice3A_140 = vector.extract_strided_slice %get3A_42 {offsets = [256, 0], sizes = [5888, 128], strides = [1, 1]} : vector<6400x128xf32> to vector<5888x128xf32>
      %get3A_141 = arith.constant 9 : index
      %get3A_142 = arith.constant 0 : index
      %get3A_143 = arith.constant 0 : index
      %get3A_144 = vector.load %arg2[%get3A_141, %get3A_142, %get3A_143] : memref<12x128x128xf32, #tpu.memory_space<vmem>>, vector<1x128x128xf32>
      %get3A_145 = vector.shape_cast %get3A_144 : vector<1x128x128xf32> to vector<128x128xf32>
      %dot_general3A_146 = arith.constant dense<0.000000e+00> : vector<5888x128xf32>
      %dot_general3A_147 = tpu.matmul %slice3A_140, %get3A_145, %dot_general3A_146 {dimension_numbers = #tpu.dot_dimension_numbers<[1], [0], [0], [1], [0, 0, 1, 1], [], []>, transpose_lhs_hint = false} : vector<5888x128xf32>, vector<128x128xf32>, vector<5888x128xf32> -> vector<5888x128xf32>
      %add3A_148 = arith.addf %add3A_139, %dot_general3A_147 : vector<5888x128xf32>
      %slice3A_149 = vector.extract_strided_slice %get3A_42 {offsets = [384, 0], sizes = [5888, 128], strides = [1, 1]} : vector<6400x128xf32> to vector<5888x128xf32>
      %get3A_150 = arith.constant 10 : index
      %get3A_151 = arith.constant 0 : index
      %get3A_152 = arith.constant 0 : index
      %get3A_153 = vector.load %arg2[%get3A_150, %get3A_151, %get3A_152] : memref<12x128x128xf32, #tpu.memory_space<vmem>>, vector<1x128x128xf32>
      %get3A_154 = vector.shape_cast %get3A_153 : vector<1x128x128xf32> to vector<128x128xf32>
      %dot_general3A_155 = arith.constant dense<0.000000e+00> : vector<5888x128xf32>
      %dot_general3A_156 = tpu.matmul %slice3A_149, %get3A_154, %dot_general3A_155 {dimension_numbers = #tpu.dot_dimension_numbers<[1], [0], [0], [1], [0, 0, 1, 1], [], []>, transpose_lhs_hint = false} : vector<5888x128xf32>, vector<128x128xf32>, vector<5888x128xf32> -> vector<5888x128xf32>
      %add3A_157 = arith.addf %add3A_148, %dot_general3A_156 : vector<5888x128xf32>
      %slice3A_158 = vector.extract_strided_slice %get3A_42 {offsets = [512, 0], sizes = [5888, 128], strides = [1, 1]} : vector<6400x128xf32> to vector<5888x128xf32>
      %get3A_159 = arith.constant 11 : index
      %get3A_160 = arith.constant 0 : index
      %get3A_161 = arith.constant 0 : index
      %get3A_162 = vector.load %arg2[%get3A_159, %get3A_160, %get3A_161] : memref<12x128x128xf32, #tpu.memory_space<vmem>>, vector<1x128x128xf32>
      %get3A_163 = vector.shape_cast %get3A_162 : vector<1x128x128xf32> to vector<128x128xf32>
      %dot_general3A_164 = arith.constant dense<0.000000e+00> : vector<5888x128xf32>
      %dot_general3A_165 = tpu.matmul %slice3A_158, %get3A_163, %dot_general3A_164 {dimension_numbers = #tpu.dot_dimension_numbers<[1], [0], [0], [1], [0, 0, 1, 1], [], []>, transpose_lhs_hint = false} : vector<5888x128xf32>, vector<128x128xf32>, vector<5888x128xf32> -> vector<5888x128xf32>
      %add3A_166 = arith.addf %add3A_157, %dot_general3A_165 : vector<5888x128xf32>
      %reshape3A_167 = vector.shape_cast %add3A_166 : vector<5888x128xf32> to vector<46x128x128xf32>
      %reduce_max3A_168 = arith.constant dense<0xFF800000> : vector<128x128xf32>
      %reduce_max3A_169 = vector.multi_reduction <maximumf>, %reshape3A_167, %reduce_max3A_168 [0] : vector<46x128x128xf32> to vector<128x128xf32>
      %get3A_170 = arith.constant 2 : index
      %get3A_171 = arith.constant 0 : index
      %get3A_172 = vector.load %arg3[%get3A_170, %get3A_171] : memref<3x128xf32, #tpu.memory_space<vmem>>, vector<1x128xf32>
      %add3A_173 = vector.broadcast %get3A_172 : vector<1x128xf32> to vector<128x128xf32>
      %add3A_174 = arith.addf %reduce_max3A_169, %add3A_173 : vector<128x128xf32>
      %max3A_175 = arith.constant 0.000000e+00 : f32
      %max3A_176 = vector.broadcast %max3A_175 : f32 to vector<128x128xf32>
      %max3A_177 = arith.maximumf %add3A_174, %max3A_176 : vector<128x128xf32>
      %concatenate3A = tpu.concatenate %max3A_76, %max3A_122, %max3A_177 in 1 : vector<128x128xf32>, vector<128x128xf32>, vector<128x128xf32> -> vector<128x384xf32>
      %get3A_178 = arith.constant 0 : index
      %get3A_179 = arith.constant 0 : index
      %get3A_180 = vector.load %arg4[%get3A_178, %get3A_179] : memref<384x128xf32, #tpu.memory_space<vmem>>, vector<384x128xf32>
      %dot_general3A_181 = arith.constant dense<0.000000e+00> : vector<128x128xf32>
      %dot_general3A_182 = tpu.matmul %concatenate3A, %get3A_180, %dot_general3A_181 {dimension_numbers = #tpu.dot_dimension_numbers<[1], [0], [0], [1], [0, 0, 1, 1], [], []>, transpose_lhs_hint = false} : vector<128x384xf32>, vector<384x128xf32>, vector<128x128xf32> -> vector<128x128xf32>
      %get3A_183 = arith.constant 0 : index
      %get3A_184 = arith.constant 0 : index
      %get3A_185 = vector.load %arg5[%get3A_183, %get3A_184] : memref<1x128xf32, #tpu.memory_space<vmem>>, vector<1x128xf32>
      %add3A_186 = vector.broadcast %get3A_185 : vector<1x128xf32> to vector<128x128xf32>
      %add3A_187 = arith.addf %dot_general3A_182, %add3A_186 : vector<128x128xf32>
      %mul3A = arith.mulf %add3A_187, %add3A_187 : vector<128x128xf32>
      %reduce_sum3A = arith.constant dense<0.000000e+00> : vector<128xf32>
      %reduce_sum3A_188 = vector.multi_reduction <add>, %mul3A, %reduce_sum3A [1] : vector<128x128xf32> to vector<128xf32>
      %broadcast_in_dim3A_189 = vector.shape_cast %reduce_sum3A_188 : vector<128xf32> to vector<128x1xf32>
      %sqrt3A = math.sqrt %broadcast_in_dim3A_189 : vector<128x1xf32>
      %add3A_190 = arith.constant 9.99999993E-9 : f32
      %add3A_191 = vector.broadcast %add3A_190 : f32 to vector<128x1xf32>
      %add3A_192 = arith.addf %sqrt3A, %add3A_191 : vector<128x1xf32>
      %div3A = vector.broadcast %add3A_192 : vector<128x1xf32> to vector<128x128xf32>
      %div3A_193 = arith.divf %add3A_187, %div3A : vector<128x128xf32>
      %swap3A_194 = arith.constant 0 : index
      %swap3A_195 = arith.constant 0 : index
      %swap3A_196 = vector.load %arg12[%swap3A_194, %swap3A_195] : memref<128x128xf32, #tpu.memory_space<vmem>>, vector<128x128xf32>
      tpu.vector_store %arg12[%swap3A_194, %swap3A_195], %div3A_193 {strides = array<i32>} : memref<128x128xf32, #tpu.memory_space<vmem>>, vector<128x128xf32>,
    } else {
    }
    %get3A = arith.constant 0 : index
    %get3A_2 = arith.constant 0 : index
    %get3A_3 = vector.load %arg7[%get3A, %get3A_2] : memref<8192x128xf32, #tpu.memory_space<vmem>>, vector<8192x128xf32>
    %get3A_4 = arith.constant 0 : index
    %get3A_5 = arith.constant 0 : index
    %get3A_6 = vector.load %arg12[%get3A_4, %get3A_5] : memref<128x128xf32, #tpu.memory_space<vmem>>, vector<128x128xf32>
    %dot_general3A = arith.constant dense<0.000000e+00> : vector<8192x128xf32>
    %dot_general3A_7 = tpu.matmul %get3A_3, %get3A_6, %dot_general3A {dimension_numbers = #tpu.dot_dimension_numbers<[1], [1], [0], [0], [0, 0, 1, 0], [], []>, transpose_lhs_hint = false} : vector<8192x128xf32>, vector<128x128xf32>, vector<8192x128xf32> -> vector<8192x128xf32>
    %get3A_8 = arith.constant 0 : index
    %get3A_9 = arith.constant 0 : index
    %get3A_10 = arith.constant 0 : index
    %get3A_11 = vector.load %arg8[%get3A_8, %get3A_9, %get3A_10] : memref<1x1x8192xi32, #tpu.memory_space<vmem>>, vector<1x1x8192xi32>
    %get3A_12 = vector.shape_cast %get3A_11 : vector<1x1x8192xi32> to vector<1x8192xi32>
    %transpose3A = tpu.transpose %get3A_12, [1, 0] : vector<1x8192xi32> -> vector<8192x1xi32>
    %get3A_13 = arith.constant 0 : index
    %get3A_14 = arith.constant 0 : index
    %get3A_15 = vector.load %arg6[%get3A_13, %get3A_14] : memref<1x128xi32, #tpu.memory_space<vmem>>, vector<1x128xi32>
    %eq3A_16 = vector.broadcast %transpose3A : vector<8192x1xi32> to vector<8192x128xi32>
    %eq3A_17 = vector.broadcast %get3A_15 : vector<1x128xi32> to vector<8192x128xi32>
    %eq3A_18 = arith.cmpi eq, %eq3A_16, %eq3A_17 : vector<8192x128xi32>
    %jit3A = arith.constant -1.000000e+30 : f32
    %broadcast_in_dim3A = vector.broadcast %jit3A : f32 to vector<8192x128xf32>
    %select_n3A = arith.select %eq3A_18, %dot_general3A_7, %broadcast_in_dim3A : vector<8192x128xi1>, vector<8192x128xf32>
    %reduce_max3A = arith.constant dense<0xFF800000> : vector<128xf32>
    %reduce_max3A_19 = vector.multi_reduction <maximumf>, %select_n3A, %reduce_max3A [0] : vector<8192x128xf32> to vector<128xf32>
    %broadcast_in_dim3A_20 = vector.shape_cast %reduce_max3A_19 : vector<128xf32> to vector<1x128xf32>
    %jit3A_21 = arith.constant -1.000000e+30 : f32
    %broadcast_in_dim3A_22 = vector.broadcast %jit3A_21 : f32 to vector<8192x128xf32>
    %select_n3A_23 = arith.select %eq3A_18, %broadcast_in_dim3A_22, %dot_general3A_7 : vector<8192x128xi1>, vector<8192x128xf32>
    %reduce_max3A_24 = arith.constant dense<0xFF800000> : vector<128xf32>
    %reduce_max3A_25 = vector.multi_reduction <maximumf>, %select_n3A_23, %reduce_max3A_24 [0] : vector<8192x128xf32> to vector<128xf32>
    %broadcast_in_dim3A_26 = vector.shape_cast %reduce_max3A_25 : vector<128xf32> to vector<1x128xf32>
    %eq3A_27 = arith.constant 0 : i32
    %eq3A_28 = arith.cmpi eq, %arg0, %eq3A_27 : i32
    %convert_element_type3A_29 = arith.extui %eq3A_28 : i1 to i32
    %cond3A_30 = arith.constant 0 : i32
    %cond3A_31 = arith.cmpi ne, %convert_element_type3A_29, %cond3A_30 : i32
    scf.if %cond3A_31 {
      %swap3A_40 = arith.constant 0 : index
      %swap3A_41 = arith.constant 0 : index
      %swap3A_42 = vector.load %arg10[%swap3A_40, %swap3A_41] : memref<1x128xf32, #tpu.memory_space<vmem>>, vector<1x128xf32>
      tpu.vector_store %arg10[%swap3A_40, %swap3A_41], %broadcast_in_dim3A_20 {strides = array<i32>} : memref<1x128xf32, #tpu.memory_space<vmem>>, vector<1x128xf32>,
      %swap3A_43 = arith.constant 0 : index
      %swap3A_44 = arith.constant 0 : index
      %swap3A_45 = vector.load %arg11[%swap3A_43, %swap3A_44] : memref<1x128xf32, #tpu.memory_space<vmem>>, vector<1x128xf32>
      tpu.vector_store %arg11[%swap3A_43, %swap3A_44], %broadcast_in_dim3A_26 {strides = array<i32>} : memref<1x128xf32, #tpu.memory_space<vmem>>, vector<1x128xf32>,
    } else {
    }
    %gt3A = arith.constant 0 : i32
    %gt3A_32 = arith.cmpi sgt, %arg0, %gt3A : i32
    %convert_element_type3A_33 = arith.extui %gt3A_32 : i1 to i32
    %cond3A_34 = arith.constant 0 : i32
    %cond3A_35 = arith.cmpi ne, %convert_element_type3A_33, %cond3A_34 : i32
    scf.if %cond3A_35 {
      %get3A_40 = arith.constant 0 : index
      %get3A_41 = arith.constant 0 : index
      %get3A_42 = vector.load %arg10[%get3A_40, %get3A_41] : memref<1x128xf32, #tpu.memory_space<vmem>>, vector<1x128xf32>
      %max3A = arith.maximumf %get3A_42, %broadcast_in_dim3A_20 : vector<1x128xf32>
      %swap3A_43 = arith.constant 0 : index
      %swap3A_44 = arith.constant 0 : index
      %swap3A_45 = vector.load %arg10[%swap3A_43, %swap3A_44] : memref<1x128xf32, #tpu.memory_space<vmem>>, vector<1x128xf32>
      tpu.vector_store %arg10[%swap3A_43, %swap3A_44], %max3A {strides = array<i32>} : memref<1x128xf32, #tpu.memory_space<vmem>>, vector<1x128xf32>,
      %get3A_46 = arith.constant 0 : index
      %get3A_47 = arith.constant 0 : index
      %get3A_48 = vector.load %arg11[%get3A_46, %get3A_47] : memref<1x128xf32, #tpu.memory_space<vmem>>, vector<1x128xf32>
      %max3A_49 = arith.maximumf %get3A_48, %broadcast_in_dim3A_26 : vector<1x128xf32>
      %swap3A_50 = arith.constant 0 : index
      %swap3A_51 = arith.constant 0 : index
      %swap3A_52 = vector.load %arg11[%swap3A_50, %swap3A_51] : memref<1x128xf32, #tpu.memory_space<vmem>>, vector<1x128xf32>
      tpu.vector_store %arg11[%swap3A_50, %swap3A_51], %max3A_49 {strides = array<i32>} : memref<1x128xf32, #tpu.memory_space<vmem>>, vector<1x128xf32>,
    } else {
    }
    %convert_element_type3A_36 = arith.truncf %dot_general3A_7 : vector<8192x128xf32> to vector<8192x128xbf16>
    %reshape3A = vector.shape_cast %convert_element_type3A_36 : vector<8192x128xbf16> to vector<1x8192x128xbf16>
    %swap3A = arith.constant 0 : index
    %swap3A_37 = arith.constant 0 : index
    %swap3A_38 = arith.constant 0 : index
    %swap3A_39 = vector.load %arg9[%swap3A, %swap3A_37, %swap3A_38] : memref<1x8192x128xbf16, #tpu.memory_space<vmem>>, vector<1x8192x128xbf16>
    tpu.vector_store %arg9[%swap3A, %swap3A_37, %swap3A_38], %reshape3A {strides = array<i32>} : memref<1x8192x128xbf16, #tpu.memory_space<vmem>>, vector<1x8192x128xbf16>,
    return
  }
  func.func @transform_0(%arg0: i32) -> (i32, i32) {
    %c0_i32 = arith.constant 0 : i32
    %c0_i32_0 = arith.constant 0 : i32
    %c0_i32_1 = arith.constant 0 : i32
    return %c0_i32, %c0_i32_0 : i32, i32
  }
  func.func @transform_1(%arg0: i32) -> (i32, i32, i32) {
    %c0_i32 = arith.constant 0 : i32
    %c0_i32_0 = arith.constant 0 : i32
    %c0_i32_1 = arith.constant 0 : i32
    %c0_i32_2 = arith.constant 0 : i32
    return %c0_i32, %c0_i32_0, %c0_i32_1 : i32, i32, i32
  }
  func.func @transform_2(%arg0: i32) -> (i32, i32) {
    %c0_i32 = arith.constant 0 : i32
    %c0_i32_0 = arith.constant 0 : i32
    %c0_i32_1 = arith.constant 0 : i32
    return %c0_i32, %c0_i32_0 : i32, i32
  }
  func.func @transform_3(%arg0: i32) -> (i32, i32) {
    %c0_i32 = arith.constant 0 : i32
    %c0_i32_0 = arith.constant 0 : i32
    %c0_i32_1 = arith.constant 0 : i32
    return %c0_i32, %c0_i32_0 : i32, i32
  }
  func.func @transform_4(%arg0: i32) -> (i32, i32) {
    %c0_i32 = arith.constant 0 : i32
    %c0_i32_0 = arith.constant 0 : i32
    %c0_i32_1 = arith.constant 0 : i32
    return %c0_i32, %c0_i32_0 : i32, i32
  }
  func.func @transform_5(%arg0: i32) -> (i32, i32) {
    %c0_i32 = arith.constant 0 : i32
    %c0_i32_0 = arith.constant 0 : i32
    %c0_i32_1 = arith.constant 0 : i32
    return %c0_i32, %c0_i32_0 : i32, i32
  }
  func.func @transform_6(%arg0: i32) -> (i32, i32) {
    %c0_i32 = arith.constant 0 : i32
    %c0_i32_0 = arith.constant 0 : i32
    return %arg0, %c0_i32 : i32, i32
  }
  func.func @transform_7(%arg0: i32) -> (i32, i32, i32) {
    %c0_i32 = arith.constant 0 : i32
    %c0_i32_0 = arith.constant 0 : i32
    %c0_i32_1 = arith.constant 0 : i32
    return %arg0, %c0_i32, %c0_i32_0 : i32, i32, i32
  }
  func.func @transform_8(%arg0: i32) -> (i32, i32, i32) {
    %c0_i32 = arith.constant 0 : i32
    %c0_i32_0 = arith.constant 0 : i32
    %c0_i32_1 = arith.constant 0 : i32
    return %arg0, %c0_i32, %c0_i32_0 : i32, i32, i32
  }
  func.func @transform_9(%arg0: i32) -> (i32, i32) {
    %c0_i32 = arith.constant 0 : i32
    %c0_i32_0 = arith.constant 0 : i32
    %c0_i32_1 = arith.constant 0 : i32
    return %c0_i32, %c0_i32_0 : i32, i32
  }
  func.func @transform_10(%arg0: i32) -> (i32, i32) {
    %c0_i32 = arith.constant 0 : i32
    %c0_i32_0 = arith.constant 0 : i32
    %c0_i32_1 = arith.constant 0 : i32
    return %c0_i32, %c0_i32_0 : i32, i32
  }
}

</mosaic_0001>

<sc_bundles>
// kernel: kernel.5.cloned.1.call-start
scs
__scs_entry_jumppad:
0x0: {  	(pc) =	sbr.rel $0x88, $3  }
0x1: {  	(tag) =	ssettag $0x0;
	lr =	simm.s32 $0x1  }
0x2: {  	[smem:$0x3F94] =	sst lr;
	_ =	strace $0xD0000000  }
0x3: {  	_ = 	snop  }
0x4: {  	_ = 	snop  }
0x5: {  	_ = 	snop  }
0x6: {  	_ = 	snop  }
0x7: {  	_ = 	snop  }
__scs_overlays_trampoline_lowered:
0x8: {  	[smem:$0x3FA3] =	sst s0  }
0x9: {  	[smem:$0x3FA4] =	sst s1  }
0xa: {  	[smem:$0x3FA5] =	sst s2  }
0xb: {  	[smem:$0x3FA6] =	sst s3  }
0xc: {  	[smem:$0x3FA7] =	sst s4  }
0xd: {  	[smem:$0x3FA8] =	sst s5  }
0xe: {  	[smem:$0x3FA9] =	sst s6  }
0xf: {  	[smem:$0x3FAA] =	sst s7  }
0x10: {  	[smem:$0x3FAB] =	sst s8  }
0x11: {  	[smem:$0x3FAC] =	sst s9;
	s0 =	simm.s32 @!p0 $0x0  }
0x12: {  	s1 =	sld [smem:$0x3F92];
	s0 =	simm.s32 @p0 $0x1  }
0x13: {  	[smem:$0x3FAD] =	sst s0;
	s0 =	simm.s32 @!p1 $0x0  }
0x14: {  	s2 =	sld [smem:$0x3F91];
	s0 =	simm.s32 @p1 $0x1  }
0x15: {  	[smem:$0x3FAE] =	sst s0;
	s0 =	simm.s32 @!p2 $0x0  }
0x16: {  	s3 =	sld [smem:$0x3FDB];
	s0 =	simm.s32 @p2 $0x1  }
0x17: {  	s4 =	simm.s32 $0x1BF5;
	[smem:$0x3FB0] =	sst s0  }
0x18: {  	s0 =	sld [smem:$0x3F93];
	_ =	swait.ge [sflag:s4], $0x0  }
0x19: {  	s7 =	sld [smem:$0x3F94]  }
0x1a: {  	s8 =	sadd.s32 $0xFFFFE003, lr  }
0x1b: {  	s9 =	sadd.s32 $0xFFFFFEF7, lr;
	s5 =	simm.s32 $0xFFFFFFFF;
	p2 =	slt.u32 s8, $0xFFFFF086  }
0x1c: {  	p1 =	slt.u32 s9, $0xF7A;
	s5 =	simm.s32 @!p2 $0x0  }
0x1d: {  	s5 =	simm.s32 @p1 $0x1;
	p0 =	seq.s32 s7, s2  }
0x1e: {  	s7 =	smul.u32 @!p0 $0xF7A, s2;
	p2 =	seq.s32 @!p0 s5, $0x0  }
0x1f: {  	s9 =	smul.u32 $0xF7A, s1;
	s8 =	simm.s32 @!p0 $0x1BF5;
	p2 =	por !p2, p0  }
0x20: {  	[sflag:s8] =	ssyncset.s32 @!p0 $0xFFFFF086;
	s6 =	sadd.s32 @!p0 s3, s7;
	s7 =	simm.s32 @!p0 $0x108  }
0x21: {  	s3 =	sadd.s32 s3, s9;
	s6 =	sadd.s32 @!p0 $0x88, s6;
	s7 =	simm.s32 @p2 $0x1082  }
0x22: {  	[simem:s7], [sflag:s8] =	dma.local @!p0 [hbm:s6], $0xF7A  }
0x23: {  	s9 =	sor.u32 $0xD0000000, s2;
	s6 =	simm.s32 $0x108;
	_ =	swait.ge @!p0 [sflag:s8], $0x0  }
0x24: {  	s3 =	sadd.s32 $0x88, s3;
	s6 =	simm.s32 @!p1 $0x1082;
	[sflag:s4] =	ssyncset.s32 $0xFFFFF086  }
0x25: {  	[simem:s6], [sflag:s4] =	dma.local [hbm:s3], $0xF7A  }
0x26: {  	[smem:$0x3F94] =	sst s1;
	(tag) =	ssettag s2;
	_ =	strace s9  }
0x27: {  	s1 =	sld [smem:$0x3FA4]  }
0x28: {  	s2 =	sld [smem:$0x3FA5]  }
0x29: {  	s4 =	sld [smem:$0x3FA7]  }
0x2a: {  	p0 =	seq.s32 s5, $0x0;
	s5 =	sld [smem:$0x3FA8]  }
0x2b: {  	s6 =	sld [smem:$0x3FA9]  }
0x2c: {  	s7 =	sld [smem:$0x3FAA]  }
0x2d: {  	s3 =	simm.s32 $0x108;
	s8 =	sld [smem:$0x3FAB]  }
0x2e: {  	s3 =	simm.s32 @!p0 $0x1082;
	s9 =	sld [smem:$0x3FAC]  }
0x2f: {  	lr =	sadd.s32 s0, s3;
	s0 =	sld [smem:$0x3FA3]  }
0x30: {  	s3 =	sld [smem:$0x3FA6]  }
0x31: {  	[smem:$0x3FAF] =	sst s10  }
0x32: {  	s10 =	sld [smem:$0x3FAD];
	_ =	sdelay $0x3  }
0x33: {  	p0 =	seq.s32 s10, $0x1;
	s10 =	sld [smem:$0x3FAF];
	_ =	sdelay $0x3  }
0x34: {  	[smem:$0x3FAF] =	sst s10  }
0x35: {  	s10 =	sld [smem:$0x3FAE];
	_ =	sdelay $0x3  }
0x36: {  	p1 =	seq.s32 s10, $0x1;
	s10 =	sld [smem:$0x3FAF];
	_ =	sdelay $0x3  }
0x37: {  	[smem:$0x3FAF] =	sst s10  }
0x38: {  	s10 =	sld [smem:$0x3FB0]  }
0x39: {  	_ = 	snop;
	(pc) =	sbr.ind lr, $3  }
0x3a: {  	_ = 	snop  }
0x3b: {  	_ = 	snop  }
0x3c: {  	p2 =	seq.s32 s10, $0x1;
	s10 =	sld [smem:$0x3FAF]  }
0x3d: {  	_ =	shalt  }
0x3e: {  	_ =	shalt  }
0x3f: {  	_ =	shalt  }
0x40: {  	_ =	shalt  }
0x41: {  	_ =	shalt  }
0x42: {  	_ =	shalt  }
0x43: {  	_ =	shalt  }
0x44: {  	_ =	shalt  }
0x45: {  	_ =	shalt  }
0x46: {  	_ =	shalt  }
0x47: {  	_ =	shalt  }
0x48: {  	_ =	shalt  }
0x49: {  	_ =	shalt  }
0x4a: {  	_ =	shalt  }
0x4b: {  	_ =	shalt  }
0x4c: {  	_ =	shalt  }
0x4d: {  	_ =	shalt  }
0x4e: {  	_ =	shalt  }
0x4f: {  	_ =	shalt  }
0x50: {  	_ =	shalt  }
0x51: {  	_ =	shalt  }
0x52: {  	_ =	shalt  }
0x53: {  	_ =	shalt  }
0x54: {  	_ =	shalt  }
0x55: {  	_ =	shalt  }
0x56: {  	_ =	shalt  }
0x57: {  	_ =	shalt  }
0x58: {  	_ =	shalt  }
0x59: {  	_ =	shalt  }
0x5a: {  	_ =	shalt  }
0x5b: {  	_ =	shalt  }
0x5c: {  	_ =	shalt  }
0x5d: {  	_ =	shalt  }
0x5e: {  	_ =	shalt  }
0x5f: {  	_ =	shalt  }
0x60: {  	_ =	shalt  }
0x61: {  	_ =	shalt  }
0x62: {  	_ =	shalt  }
0x63: {  	_ =	shalt  }
0x64: {  	_ =	shalt  }
0x65: {  	_ =	shalt  }
0x66: {  	_ =	shalt  }
0x67: {  	_ =	shalt  }
0x68: {  	_ =	shalt  }
0x69: {  	_ =	shalt  }
0x6a: {  	_ =	shalt  }
0x6b: {  	_ =	shalt  }
0x6c: {  	_ =	shalt  }
0x6d: {  	_ =	shalt  }
0x6e: {  	_ =	shalt  }
0x6f: {  	_ =	shalt  }
0x70: {  	_ =	shalt  }
0x71: {  	_ =	shalt  }
0x72: {  	_ =	shalt  }
0x73: {  	_ =	shalt  }
0x74: {  	_ =	shalt  }
0x75: {  	_ =	shalt  }
0x76: {  	_ =	shalt  }
0x77: {  	_ =	shalt  }
0x78: {  	_ =	shalt  }
0x79: {  	_ =	shalt  }
0x7a: {  	_ =	shalt  }
0x7b: {  	_ =	shalt  }
0x7c: {  	_ =	shalt  }
0x7d: {  	_ =	shalt  }
0x7e: {  	_ =	shalt  }
0x7f: {  	_ =	shalt  }
0x80: {  	_ =	shalt  }
0x81: {  	_ =	shalt  }
0x82: {  	_ =	shalt  }
0x83: {  	_ =	shalt  }
0x84: {  	_ =	shalt  }
0x85: {  	_ =	shalt  }
0x86: {  	_ =	shalt  }
0x87: {  	_ =	shalt  }
.Lfunc_end0:
.L_simem_size_0:
called_computation_lowered:
.L_overlay_start_0:
0x88: {  	s2 =	sld [smem:$0x3FD9]  }
0x89: {  	s3 =	sld [smem:$0x3FFE];
	_ =	sdelay $0x1  }
0x8a: {  	s1 =	srdreg.scid  }
0x8b: {  	s0 =	sand.u32 $0x1, s1  }
0x8c: {  	s17 =	sshll.u32 s0, $0xA;
	s2 =	sadd.s32 s3, s2  }
0x8d: {  	s2 =	sadd.s32 s2, s17  }
0x8e: {  	[smem:$0x3FBB] =	sst s2  }
0x8f: {  	_ = 	snop  }
0x90: {  	s2 =	sld [smem:$0x3FC9]  }
0x91: {  	s18 =	sld [smem:$0x3FC7];
	(tm) =	ssettm $0x1  }
0x92: {  	s4 =	sld [smem:$0x3FFB];
	_ =	sdelay $0x3  }
0x93: {  	_ =	strace s4  }
0x94: {  	s4 =	sld [smem:$0x3FFC];
	_ =	sdelay $0x3  }
0x95: {  	_ =	strace s4  }
0x96: {  	s4 =	sld [smem:$0x3FFD];
	_ =	sdelay $0x3  }
0x97: {  	_ =	strace s4  }
0x98: {  	_ =	strace $0x8FFFFFFF  }
0x99: {  	s19 =	sld [smem:$0x3FDB];
	_ =	sdelay $0x1  }
0x9a: {  	s5 =	simm.s32 $_scs_section_size  }
0x9b: {  	s6 =	simm.s32 $_size__tile_overlayer_lowered;
	s7 =	simm.s32 $_tile_overlayer_lowered  }
0x9c: {  	s22 =	simm.s32 $0x1BFF;
	s21 =	sshll.u32 s7, $0x1;
	s4 =	sadd.s32 s5, s19  }
0x9d: {  	s8 =	simm.s32 $0x0;
	s20 =	sshll.u32 s6, $0x1;
	s6 =	sadd.s32 s21, s4  }
0x9e: {  	[timem:s8], [sflag:s22] =	dma.local [hbm:s6], s20  }
0x9f: {  	_ =	swait.ge [sflag:s22], s20  }
0xa0: {  	s5 =	ssub.s32 $0x0, s20;
	[sflag:s22] =	ssyncset.done $0x0  }
0xa1: {  	[sflag:s22] =	ssyncadd.s32 s5;
	_ =	sdelay $0x1  }
0xa2: {  	s23 =	simm.s32 $0x1B8B  }
0xa3: {  	_ =	swait.ge [sflag:s23], $0x1  }
0xa4: {  	[sflag:s23] =	ssyncset.done $0x0  }
0xa5: {  	s25 =	simm.s32 $0x1B8E;
	s24 =	sld [smem:$0x3FFE];
	[sflag:s23] =	ssyncadd.s32 $0xFFFFFFFF  }
0xa6: {  	s26 =	simm.s32 $execute0_lowered;
	[smem:$0x3FD2] =	sst s25  }
0xa7: {  	s6 =	sshll.u32 s26, $0x1;
	_ =	strace $0x80000046;
	[dreg:$0x1] =	wrdreg $0xFFFFFFFF  }
0xa8: {  	s28 =	simm.s32 $_size_execute0_lowered;
	s4 =	sadd.s32 s4, s6;
	[dreg:$0x0] =	wrdreg $0x0  }
0xa9: {  	s6 =	sshll.u32 s28, $0x1;
	[dreg:$0x2] =	wrdreg s4  }
0xaa: {  	[dreg:$0x3] =	wrdreg s6  }
0xab: {  	[dreg:$0x4] =	wrdreg $0xC0  }
0xac: {  	_ =	task [dreg:s8], $0x5FFFF  }
0xad: {  	[dreg:$0x1] =	wrdreg $0xFFFFFFFF  }
0xae: {  	[dreg:$0x0] =	wrdreg $0x60  }
0xaf: {  	[dreg:$0x2] =	wrdreg s18  }
0xb0: {  	[dreg:$0x3] =	wrdreg s2  }
0xb1: {  	[dreg:$0x4] =	wrdreg s24  }
0xb2: {  	[dreg:$0x5] =	wrdreg $0x9  }
0xb3: {  	_ =	task.clear_ibuf [dreg:s8], $0x6FFFF;
	_ =	strace $0x90000046  }
0xb4: {  	s29 =	simm.s32 $0x9;
	_ =	strace $0x80000048  }
0xb5: {  	_ =	swait.ge [sflag:s29], $0x1  }
0xb6: {  	[sflag:s29] =	ssyncadd.s32 $0xFFFFFFFF  }
0xb7: {  	_ =	strace $0x90000048  }
0xb8: {  	_ =	sfence  }
0xb9: {  	s30 =	sld [smem:$0x0];
	_ =	sdelay $0x2  }
0xba: {  	s31 =	sshll.u32 s1, $0xD;
	s1 =	sshrl.u32 s1, $0x2  }
0xbb: {  	s3 =	sand.u32 $0x4000, s31;
	s1 =	sadd.s32 s1, s30  }
0xbc: {  	s0 =	sor.u32 s3, s0;
	s1 =	sshll.u32 s1, $0x11  }
0xbd: {  	s0 =	sor.u32 s1, s0  }
0xbe: {  	s0 =	sadd.s32 $0x8F2B, s0  }
0xbf: {  	[sflag:s0] =	ssyncadd.remote.s32 $0x1  }
0xc0: {  	_ =	sfence.sel $0xFFFF  }
0xc1: {  	[dreg:$0x0] =	wrdreg $0xFFFFFFFF;
	(pc) =	sbr.abs _section_cstart, $3  }
0xc2: {  	[dreg:$0x1] =	wrdreg $0xFFFFFFFF  }
0xc3: {  	_ =	task.clear_ibuf [dreg:s8], $0x2FFFF;
	_ =	strace $0x9FFFFFFF  }
0xc4: {  	(tm) =	ssettm $0x7FFFFFFF  }
0xc5: {  	_ =	shalt  }
tec
execute0_lowered:
.L_overlay_start_1:
0x0: {  	(tag) =	ssettag $0x1  }
0x1: {  	s1 =	rddreg [dreg:$0x0]  }
0x2: {  	s2 =	srdreg.scid;
	s0 =	stileid.u32  }
0x3: {  	s4 =	rddreg [dreg:$0x1];
	s6 =	sand.u32 $0x1, s2;
	s30 =	sshll.u32 s0, $0x1  }
0x4: {  	s9 =	rddreg [dreg:$0x2];
	s3 =	simm.s32 $0x0;
	s7 =	sor.u32 s6, s30  }
0x5: {  	s8 =	simm.s32 $0x1;
	[smem:$0x7FF] =	sst s3;
	s5 =	smul.u32 $0x19, s7  }
0x6: {  	s2 =	rddreg [dreg:$0x3];
	_ =	strace $0x80000047;
	s11 =	ssub.s32 $0x2, s6  }
0x7: {  	s6 =	simm.s32 $0xC8;
	s5 =	sadd.s32 s4, s5;
	s4 =	simm.s32 $0x2  }
0x8: {  	[tilespmem:s3], [sflag:$0x2] =	stream.linear.gather [hbm4b:s5+s3], $0xC8, $0x38;
	[tilespmem:$0x6500] =	vst v63  }
0x9: {  	s10 =	smul.u32 $0xC80, s7;
	s12 =	sshrl.u32 s11, $0x1;
	_ =	swait.ge [sflag:s4], $0xC8  }
0xa: {  	s7 =	simm.s32 $0x100;
	s31 =	ssub.s32 s11, s12;
	[sflag:s4] =	ssyncset.done $0x0  }
0xb: {  	s9 =	sadd.s32 s10, s9;
	s10 =	smax.u32 s31, $0x1;
	[sflag:s4] =	ssyncadd.s32 $0xFFFFFF38  }
0xc: {  	[tilespmem:s7], [sflag:$0x1] =	stream.indirect.gather [hbm4b:s1+s6], $0x80, s3, s6, $0xb8;
	[tilespmem:$0x6500] =	vst v63  }
0xd: {  	p0 =	sne.s32 s10, $0x1;
	_ =	swait.ge [sflag:s8], $0x6400  }
.Ltmp0:
0xe: {  	[sflag:s8] =	ssyncset.done $0x0;
	(pc) =	sbr.rel @!p0 .LBB2_2-.Ltmp0, $4  }
0xf: {  	s9 =	sadd.s32 $0x2000, s9;
	[sflag:s8] =	ssyncadd.s32 $0xFFFF9C00  }
0x10: {  	[hbm4b:s9+s3] =	stream.linear.scatter [tilespmem:s7], [sflag:$0x2], $0x6400, $0x38;
	[tilespmem:$0x6500] =	vst v63  }
0x11: {  	_ =	swait.ge [sflag:s4], $0x6400  }
0x12: {  	s10 =	sadd.s32 $0xFFFFFFFF, s10;
	[sflag:s4] =	ssyncset.done $0x0  }
.LBB2_1:
0x13: {  	p0 =	sne.s32 s10, $0x1;
	s10 =	sadd.s32 $0xFFFFFFFF, s10;
	[sflag:s4] =	ssyncadd.s32 $0xFFFF9C00  }
0x14: {  	[tilespmem:s3], [sflag:$0x2] =	stream.linear.gather [hbm4b:s5+s3], $0xC8, $0x38;
	[tilespmem:$0x6500] =	vst v63  }
0x15: {  	_ =	swait.ge [sflag:s4], $0xC8  }
0x16: {  	[sflag:s4] =	ssyncset.done $0x0  }
0x17: {  	[sflag:s4] =	ssyncadd.s32 $0xFFFFFF38  }
0x18: {  	[tilespmem:s7], [sflag:$0x1] =	stream.indirect.gather [hbm4b:s1+s6], $0x80, s3, s6, $0xb8;
	[tilespmem:$0x6500] =	vst v63  }
0x19: {  	_ =	swait.ge [sflag:s8], $0x6400  }
.Ltmp1:
0x1a: {  	[sflag:s8] =	ssyncset.done $0x0;
	(pc) =	sbr.rel @p0 .LBB2_1-.Ltmp1, $4  }
0x1b: {  	[sflag:s8] =	ssyncadd.s32 $0xFFFF9C00  }
0x1c: {  	[hbm4b:s9+s3] =	stream.linear.scatter [tilespmem:s7], [sflag:$0x2], $0x6400, $0x38;
	[tilespmem:$0x6500] =	vst v63  }
0x1d: {  	_ =	swait.ge [sflag:s4], $0x6400  }
0x1e: {  	[sflag:s4] =	ssyncset.done $0x0  }
.LBB2_2:
0x1f: {  	[sflag:s4] =	ssyncadd.s32 $0xFFFF9C00  }
0x20: {  	_ =	sfence.sel $0x180000  }
0x21: {  	[bflag:$0x0] =	sbarrier.arrive $0xFFFF  }
0x22: {  	p0 =	sne.s32 s0, $0x0;
	_ =	strace $0x90000047  }
0x23: {  	s0 =	sadd.s32 @!p0 $0x100000, s2;
	[bflag:$0x2] =	sbarrier.arrive $0xFFFF  }
0x24: {  	[sflag:s0] =	ssyncadd.tile.s32 @!p0 $0x1;
	_ =	shalt  }
.Lfunc_end2:
_tile_overlayer_lowered:
.L_overlay_start_2:
0x25: {  	(tag) =	ssettag $0x2  }
0x26: {  	s0 =	rddreg [dreg:$0x0];
	s2 =	stileid.u32  }
0x27: {  	s1 =	rddreg [dreg:$0x1];
	p0 =	sne.s32 s2, $0x0  }
0x28: {  	s3 =	rddreg [dreg:$0x2];
	[bflag:$0x3] =	sbarrier.arrive $0xFFFF;
	s2 =	simm.s32 @!p0 $0x1C02  }
0x29: {  	[timem:s3], [sflag:s2] =	dma.local @!p0 [hbm:s0], s1  }
0x2a: {  	s0 =	simm.s32 @!p0 $0x2  }
0x2b: {  	_ =	swait.ge @!p0 [sflag:s0], s1  }
0x2c: {  	s1 =	ssub.s32 @!p0 $0x0, s1;
	[sflag:s0] =	ssyncset.done @!p0 $0x0  }
0x2d: {  	[sflag:s0] =	ssyncadd.s32 @!p0 s1  }
0x2e: {  	[bflag:$0x3] =	sbarrier.arrive $0xFFFF  }
0x2f: {  	_ =	shalt  }

</sc_bundles>
